<compile_context>
chip_gen: v7x
topology: tpu7x:2x2x1
jax: 0.10.2.dev20260603
libtpu: 0.0.44.dev20260713+nightly
codegen_flags: <defaults>
</compile_context>

<pallas_src>
import functools

import jax
import jax.numpy as jnp
import numpy as np
from jax import lax
from jax.experimental import pallas as pl
from jax.experimental.pallas import tpu as pltpu
from jax.experimental.pallas import tpu_sc as plsc

HIDDEN_SIZE = 2048
NUM_HEADS = 32
HEAD_DIM = HIDDEN_SIZE // NUM_HEADS
ROPE_THETA = 10000.0
MAX_POS = 4096
ATTENTION_SCALING = 1.0
BATCH = 2
SEQ = 4096

NUM_IDX = BATCH * SEQ
NC, NS = 2, 16
NW = NC * NS
IDX_PER_W = NUM_IDX // NW
CHUNK = 128
NCH = IDX_PER_W // CHUNK


def _build_tables():
    inv_freq = (1.0 / (ROPE_THETA ** (np.arange(0, HEAD_DIM, 2, dtype=np.float32) / HEAD_DIM))).astype(np.float32)
    t = np.arange(MAX_POS, dtype=np.float32)
    freqs = np.outer(t, inv_freq).astype(np.float32)
    emb = np.concatenate([freqs, freqs], axis=-1)
    cos = (np.cos(emb) * ATTENTION_SCALING).astype(np.float32)
    sin = (np.sin(emb) * ATTENTION_SCALING).astype(np.float32)
    return cos, sin


_COS_TABLE, _SIN_TABLE = _build_tables()


@functools.partial(
    pl.kernel,
    mesh=plsc.VectorSubcoreMesh(core_axis_name="c", subcore_axis_name="s"),
    out_type=(
        jax.ShapeDtypeStruct((NUM_IDX, HEAD_DIM), jnp.float32),
        jax.ShapeDtypeStruct((NUM_IDX, HEAD_DIM), jnp.float32),
    ),
    scratch_types=[
        pltpu.VMEM((NCH, CHUNK), jnp.int32),
        pltpu.VMEM((IDX_PER_W, HEAD_DIM), jnp.float32),
        pltpu.VMEM((IDX_PER_W, HEAD_DIM), jnp.float32),
        pltpu.SemaphoreType.DMA,
        pltpu.SemaphoreType.DMA,
        pltpu.SemaphoreType.DMA,
    ],
    compiler_params=pltpu.CompilerParams(
        use_tc_tiling_on_sc=False,
        disable_bounds_checks=True,
        disable_semaphore_checks=True,
    ),
)
def _rope_gather(cos_hbm, sin_hbm, idx_hbm, cos_out, sin_out,
                 idx_v, cos_rows, sin_rows, sem_a, sem_b, sem_st):
    wid = lax.axis_index("s") * NC + lax.axis_index("c")
    base = wid * IDX_PER_W
    pltpu.sync_copy(idx_hbm.at[pl.ds(wid * NCH, NCH)], idx_v)
    gsems = (sem_a, sem_b)
    gathers = []
    for j in range(NCH):
        gathers.append((
            pltpu.async_copy(cos_hbm.at[idx_v.at[j]],
                             cos_rows.at[pl.ds(j * CHUNK, CHUNK)], gsems[j]),
            pltpu.async_copy(sin_hbm.at[idx_v.at[j]],
                             sin_rows.at[pl.ds(j * CHUNK, CHUNK)], gsems[j]),
        ))
    stores = []
    for j in range(NCH):
        gathers[j][0].wait()
        gathers[j][1].wait()
        stores.append(pltpu.async_copy(
            cos_rows.at[pl.ds(j * CHUNK, CHUNK)],
            cos_out.at[pl.ds(base + j * CHUNK, CHUNK)], sem_st))
        stores.append(pltpu.async_copy(
            sin_rows.at[pl.ds(j * CHUNK, CHUNK)],
            sin_out.at[pl.ds(base + j * CHUNK, CHUNK)], sem_st))
    for st in stores:
        st.wait()


def kernel(x, position_ids):
    cos_t = jnp.asarray(_COS_TABLE)
    sin_t = jnp.asarray(_SIN_TABLE)
    idx = position_ids.reshape(NW * NCH, CHUNK)
    cos_o, sin_o = _rope_gather(cos_t, sin_t, idx)
    cos_o = cos_o.reshape(BATCH, SEQ, HEAD_DIM).astype(x.dtype)
    sin_o = sin_o.reshape(BATCH, SEQ, HEAD_DIM).astype(x.dtype)
    return cos_o, sin_o

# --- scband reference (transcript-rebuilt; emitter-appended) ---
"""Pipeline reference for scband-phi3-rotary-embedding-19018115186724 (READ-ONLY COPY).

The authoritative reference and input builder live on the scoring server;
editing this copy changes nothing except your own understanding.
"""

import jax, jax.numpy as jnp
import numpy as np

HIDDEN_SIZE = 2048
NUM_HEADS = 32
HEAD_DIM = HIDDEN_SIZE // NUM_HEADS  # 64
ROPE_THETA = 10000.0
MAX_POS = 4096  # original_max_position_embeddings; default rope, no scaling
ATTENTION_SCALING = 1.0  # default rope_type -> scaling factor 1.0
BATCH = 2
SEQ = 4096


def setup_inputs(seed: int = 0) -> dict:
    key = jax.random.key(seed)
    k1, k2 = jax.random.split(key)
    x = jax.random.normal(k1, (BATCH, SEQ, HIDDEN_SIZE), dtype=jnp.float32)
    position_ids = jax.random.randint(k2, (BATCH, SEQ), 0, MAX_POS, dtype=jnp.int32)
    return {"x": x, "position_ids": position_ids}


def reference(x, position_ids):
    # default rope init: inv_freq = 1 / theta^(2i/dim)
    inv_freq = 1.0 / (ROPE_THETA ** (jnp.arange(0, HEAD_DIM, 2, dtype=jnp.float32) / HEAD_DIM))
    # _set_cos_sin_cache: t = arange(max_seq_len_cached); seq_len rounded to 4096 multiple == MAX_POS here
    t = jnp.arange(MAX_POS, dtype=jnp.float32)
    freqs = jnp.outer(t, inv_freq)                      # [MAX_POS, HEAD_DIM//2]
    emb = jnp.concatenate([freqs, freqs], axis=-1)      # [MAX_POS, HEAD_DIM]
    cos = jnp.cos(emb) * ATTENTION_SCALING
    sin = jnp.sin(emb) * ATTENTION_SCALING
    # forward: gather rows of the cache by position_ids, cast to x.dtype
    cos_out = jnp.take(cos, position_ids, axis=0).astype(x.dtype)  # [B, S, HEAD_DIM]
    sin_out = jnp.take(sin, position_ids, axis=0).astype(x.dtype)
    return cos_out, sin_out

if __name__ == "__main__":
    import jax
    _d = setup_inputs()
    print(jax.jit(kernel)(*tuple(_d.values())))

</pallas_src>

<mosaic_0001>
#map = affine_map<(d0, d1) -> (0, 0)>
module attributes {stable_mosaic.version = 14 : i64} {
  func.func @_rope_gather(%arg0: i32, %arg1: i32, %arg2: memref<4096x64xf32, #tpu.memory_space<hbm>>, %arg3: memref<4096x64xf32, #tpu.memory_space<hbm>>, %arg4: memref<64x128xi32, #tpu.memory_space<hbm>>, %arg5: memref<8192x64xf32, #tpu.memory_space<hbm>>, %arg6: memref<8192x64xf32, #tpu.memory_space<hbm>>, %arg7: memref<2x128xi32, #tpu.memory_space<vmem>>, %arg8: memref<256x64xf32, #tpu.memory_space<vmem>>, %arg9: memref<256x64xf32, #tpu.memory_space<vmem>>, %arg10: memref<!tpu.dma_semaphore, #tpu.memory_space<semaphore_mem>>, %arg11: memref<!tpu.dma_semaphore, #tpu.memory_space<semaphore_mem>>, %arg12: memref<!tpu.dma_semaphore, #tpu.memory_space<semaphore_mem>>) attributes {dimension_semantics = [#tpu.dimension_semantics<core_parallel>, #tpu.dimension_semantics<subcore_parallel>], iteration_bounds = array<i64: 2, 16>, scalar_prefetch = 0 : i64, scratch_operands = 6 : i64, tpu.core_type = #tpu.core_type<sc_vector_subcore>, window_params = [{transform_indices = #map}, {transform_indices = #map}, {transform_indices = #map}, {transform_indices = #map}, {transform_indices = #map}]} {
    %mul3A = arith.constant 2 : i32
    %mul3A_0 = arith.muli %arg1, %mul3A : i32
    %add3A = arith.addi %mul3A_0, %arg0 : i32
    %mul3A_1 = arith.constant 256 : i32
    %mul3A_2 = arith.muli %add3A, %mul3A_1 : i32
    %mul3A_3 = arith.constant 2 : i32
    %mul3A_4 = arith.muli %add3A, %mul3A_3 : i32
    "tpu.region"() ({
      %run_scoped3A = tpu.sem_alloc : memref<!tpu.dma_semaphore, #tpu.memory_space<semaphore_mem>>
      %dma_start3A_171 = arith.constant 0 : i32
      %dma_start3A_172 = tpu.memref_slice %arg4[%mul3A_4, %dma_start3A_171] : memref<64x128xi32, #tpu.memory_space<hbm>> -> memref<2x128xi32, #tpu.memory_space<hbm>>
      %dma_start3A_173 = arith.constant 0 : i32
      %dma_start3A_174 = tpu.memref_slice %arg4[%mul3A_4, %dma_start3A_173] : memref<64x128xi32, #tpu.memory_space<hbm>> -> memref<2x128xi32, #tpu.memory_space<hbm>>
      tpu.enqueue_dma source(%dma_start3A_174 : memref<2x128xi32, #tpu.memory_space<hbm>>) target(%arg7 : memref<2x128xi32, #tpu.memory_space<vmem>>) target_semaphore(%run_scoped3A : memref<!tpu.dma_semaphore, #tpu.memory_space<semaphore_mem>>)
      %dma_wait3A_175 = arith.constant 0 : i32
      %dma_wait3A_176 = tpu.memref_slice %arg4[%mul3A_4, %dma_wait3A_175] : memref<64x128xi32, #tpu.memory_space<hbm>> -> memref<2x128xi32, #tpu.memory_space<hbm>>
      %dma_wait3A_177 = arith.constant 0 : i32
      %dma_wait3A_178 = tpu.memref_slice %arg4[%mul3A_4, %dma_wait3A_177] : memref<64x128xi32, #tpu.memory_space<hbm>> -> memref<2x128xi32, #tpu.memory_space<hbm>>
      tpu.wait_dma2 semaphore(%run_scoped3A : memref<!tpu.dma_semaphore, #tpu.memory_space<semaphore_mem>>) src(%dma_wait3A_178 : memref<2x128xi32, #tpu.memory_space<hbm>>) dst(%arg7 : memref<2x128xi32, #tpu.memory_space<vmem>>)
      tpu.yield
    }) : () -> ()
    %dma_start3A = arith.constant 0 : i32
    %dma_start3A_5 = arith.constant 0 : i32
    %dma_start3A_6 = arith.constant 0 : i32
    %dma_start3A_7 = tpu.memref_slice %arg8[%dma_start3A_5, %dma_start3A_6] : memref<256x64xf32, #tpu.memory_space<vmem>> -> memref<128x64xf32, #tpu.memory_space<vmem>>
    %dma_start3A_8 = arith.constant 0 : i32
    %dma_start3A_9 = tpu.memref_slice %arg7[%dma_start3A, %dma_start3A_8] : memref<2x128xi32, #tpu.memory_space<vmem>> -> memref<1x128xi32, #tpu.memory_space<vmem>>
    %dma_start3A_10 = tpu.memref_squeeze %dma_start3A_9 : memref<1x128xi32, #tpu.memory_space<vmem>> -> memref<128xi32, #tpu.memory_space<vmem>>
    %dma_start3A_11 = arith.constant 0 : i32
    %dma_start3A_12 = arith.constant 0 : i32
    %dma_start3A_13 = tpu.memref_slice %arg2[%dma_start3A_11, %dma_start3A_12] : memref<4096x64xf32, #tpu.memory_space<hbm>> -> memref<4096x64xf32, #tpu.memory_space<hbm>>
    tpu.enqueue_indirect_dma source(%dma_start3A_13 : memref<4096x64xf32, #tpu.memory_space<hbm>>) target(%dma_start3A_7 : memref<128x64xf32, #tpu.memory_space<vmem>>) offsets(%dma_start3A_10 : memref<128xi32, #tpu.memory_space<vmem>>) semaphore(%arg10 : memref<!tpu.dma_semaphore, #tpu.memory_space<semaphore_mem>>)
    %dma_start3A_14 = arith.constant 0 : i32
    %dma_start3A_15 = arith.constant 0 : i32
    %dma_start3A_16 = arith.constant 0 : i32
    %dma_start3A_17 = tpu.memref_slice %arg9[%dma_start3A_15, %dma_start3A_16] : memref<256x64xf32, #tpu.memory_space<vmem>> -> memref<128x64xf32, #tpu.memory_space<vmem>>
    %dma_start3A_18 = arith.constant 0 : i32
    %dma_start3A_19 = tpu.memref_slice %arg7[%dma_start3A_14, %dma_start3A_18] : memref<2x128xi32, #tpu.memory_space<vmem>> -> memref<1x128xi32, #tpu.memory_space<vmem>>
    %dma_start3A_20 = tpu.memref_squeeze %dma_start3A_19 : memref<1x128xi32, #tpu.memory_space<vmem>> -> memref<128xi32, #tpu.memory_space<vmem>>
    %dma_start3A_21 = arith.constant 0 : i32
    %dma_start3A_22 = arith.constant 0 : i32
    %dma_start3A_23 = tpu.memref_slice %arg3[%dma_start3A_21, %dma_start3A_22] : memref<4096x64xf32, #tpu.memory_space<hbm>> -> memref<4096x64xf32, #tpu.memory_space<hbm>>
    tpu.enqueue_indirect_dma source(%dma_start3A_23 : memref<4096x64xf32, #tpu.memory_space<hbm>>) target(%dma_start3A_17 : memref<128x64xf32, #tpu.memory_space<vmem>>) offsets(%dma_start3A_20 : memref<128xi32, #tpu.memory_space<vmem>>) semaphore(%arg10 : memref<!tpu.dma_semaphore, #tpu.memory_space<semaphore_mem>>)
    %dma_start3A_24 = arith.constant 1 : i32
    %dma_start3A_25 = arith.constant 128 : i32
    %dma_start3A_26 = arith.constant 0 : i32
    %dma_start3A_27 = tpu.memref_slice %arg8[%dma_start3A_25, %dma_start3A_26] : memref<256x64xf32, #tpu.memory_space<vmem>> -> memref<128x64xf32, #tpu.memory_space<vmem>>
    %dma_start3A_28 = arith.constant 0 : i32
    %dma_start3A_29 = tpu.memref_slice %arg7[%dma_start3A_24, %dma_start3A_28] : memref<2x128xi32, #tpu.memory_space<vmem>> -> memref<1x128xi32, #tpu.memory_space<vmem>>
    %dma_start3A_30 = tpu.memref_squeeze %dma_start3A_29 : memref<1x128xi32, #tpu.memory_space<vmem>> -> memref<128xi32, #tpu.memory_space<vmem>>
    %dma_start3A_31 = arith.constant 0 : i32
    %dma_start3A_32 = arith.constant 0 : i32
    %dma_start3A_33 = tpu.memref_slice %arg2[%dma_start3A_31, %dma_start3A_32] : memref<4096x64xf32, #tpu.memory_space<hbm>> -> memref<4096x64xf32, #tpu.memory_space<hbm>>
    tpu.enqueue_indirect_dma source(%dma_start3A_33 : memref<4096x64xf32, #tpu.memory_space<hbm>>) target(%dma_start3A_27 : memref<128x64xf32, #tpu.memory_space<vmem>>) offsets(%dma_start3A_30 : memref<128xi32, #tpu.memory_space<vmem>>) semaphore(%arg11 : memref<!tpu.dma_semaphore, #tpu.memory_space<semaphore_mem>>)
    %dma_start3A_34 = arith.constant 1 : i32
    %dma_start3A_35 = arith.constant 128 : i32
    %dma_start3A_36 = arith.constant 0 : i32
    %dma_start3A_37 = tpu.memref_slice %arg9[%dma_start3A_35, %dma_start3A_36] : memref<256x64xf32, #tpu.memory_space<vmem>> -> memref<128x64xf32, #tpu.memory_space<vmem>>
    %dma_start3A_38 = arith.constant 0 : i32
    %dma_start3A_39 = tpu.memref_slice %arg7[%dma_start3A_34, %dma_start3A_38] : memref<2x128xi32, #tpu.memory_space<vmem>> -> memref<1x128xi32, #tpu.memory_space<vmem>>
    %dma_start3A_40 = tpu.memref_squeeze %dma_start3A_39 : memref<1x128xi32, #tpu.memory_space<vmem>> -> memref<128xi32, #tpu.memory_space<vmem>>
    %dma_start3A_41 = arith.constant 0 : i32
    %dma_start3A_42 = arith.constant 0 : i32
    %dma_start3A_43 = tpu.memref_slice %arg3[%dma_start3A_41, %dma_start3A_42] : memref<4096x64xf32, #tpu.memory_space<hbm>> -> memref<4096x64xf32, #tpu.memory_space<hbm>>
    tpu.enqueue_indirect_dma source(%dma_start3A_43 : memref<4096x64xf32, #tpu.memory_space<hbm>>) target(%dma_start3A_37 : memref<128x64xf32, #tpu.memory_space<vmem>>) offsets(%dma_start3A_40 : memref<128xi32, #tpu.memory_space<vmem>>) semaphore(%arg11 : memref<!tpu.dma_semaphore, #tpu.memory_space<semaphore_mem>>)
    %dma_wait3A = arith.constant 0 : i32
    %dma_wait3A_44 = arith.constant 0 : i32
    %dma_wait3A_45 = arith.constant 0 : i32
    %dma_wait3A_46 = tpu.memref_slice %arg8[%dma_wait3A_44, %dma_wait3A_45] : memref<256x64xf32, #tpu.memory_space<vmem>> -> memref<128x64xf32, #tpu.memory_space<vmem>>
    %dma_wait3A_47 = arith.constant 0 : i32
    %dma_wait3A_48 = tpu.memref_slice %arg7[%dma_wait3A, %dma_wait3A_47] : memref<2x128xi32, #tpu.memory_space<vmem>> -> memref<1x128xi32, #tpu.memory_space<vmem>>
    %dma_wait3A_49 = tpu.memref_squeeze %dma_wait3A_48 : memref<1x128xi32, #tpu.memory_space<vmem>> -> memref<128xi32, #tpu.memory_space<vmem>>
    %dma_wait3A_50 = arith.constant 0 : i32
    %dma_wait3A_51 = arith.constant 0 : i32
    %dma_wait3A_52 = tpu.memref_slice %arg2[%dma_wait3A_50, %dma_wait3A_51] : memref<4096x64xf32, #tpu.memory_space<hbm>> -> memref<4096x64xf32, #tpu.memory_space<hbm>>
    tpu.wait_indirect_dma semaphore(%arg10 : memref<!tpu.dma_semaphore, #tpu.memory_space<semaphore_mem>>) src(%dma_wait3A_52 : memref<4096x64xf32, #tpu.memory_space<hbm>>) dst(%dma_wait3A_46 : memref<128x64xf32, #tpu.memory_space<vmem>>)
    %dma_wait3A_53 = arith.constant 0 : i32
    %dma_wait3A_54 = arith.constant 0 : i32
    %dma_wait3A_55 = arith.constant 0 : i32
    %dma_wait3A_56 = tpu.memref_slice %arg9[%dma_wait3A_54, %dma_wait3A_55] : memref<256x64xf32, #tpu.memory_space<vmem>> -> memref<128x64xf32, #tpu.memory_space<vmem>>
    %dma_wait3A_57 = arith.constant 0 : i32
    %dma_wait3A_58 = tpu.memref_slice %arg7[%dma_wait3A_53, %dma_wait3A_57] : memref<2x128xi32, #tpu.memory_space<vmem>> -> memref<1x128xi32, #tpu.memory_space<vmem>>
    %dma_wait3A_59 = tpu.memref_squeeze %dma_wait3A_58 : memref<1x128xi32, #tpu.memory_space<vmem>> -> memref<128xi32, #tpu.memory_space<vmem>>
    %dma_wait3A_60 = arith.constant 0 : i32
    %dma_wait3A_61 = arith.constant 0 : i32
    %dma_wait3A_62 = tpu.memref_slice %arg3[%dma_wait3A_60, %dma_wait3A_61] : memref<4096x64xf32, #tpu.memory_space<hbm>> -> memref<4096x64xf32, #tpu.memory_space<hbm>>
    tpu.wait_indirect_dma semaphore(%arg10 : memref<!tpu.dma_semaphore, #tpu.memory_space<semaphore_mem>>) src(%dma_wait3A_62 : memref<4096x64xf32, #tpu.memory_space<hbm>>) dst(%dma_wait3A_56 : memref<128x64xf32, #tpu.memory_space<vmem>>)
    %add3A_63 = arith.constant 0 : i32
    %add3A_64 = arith.addi %mul3A_2, %add3A_63 : i32
    %dma_start3A_65 = arith.constant 0 : i32
    %dma_start3A_66 = arith.constant 0 : i32
    %dma_start3A_67 = tpu.memref_slice %arg8[%dma_start3A_65, %dma_start3A_66] : memref<256x64xf32, #tpu.memory_space<vmem>> -> memref<128x64xf32, #tpu.memory_space<vmem>>
    %dma_start3A_68 = arith.constant 0 : i32
    %dma_start3A_69 = tpu.memref_slice %arg5[%add3A_64, %dma_start3A_68] : memref<8192x64xf32, #tpu.memory_space<hbm>> -> memref<128x64xf32, #tpu.memory_space<hbm>>
    %dma_start3A_70 = arith.constant 0 : i32
    %dma_start3A_71 = tpu.memref_slice %arg5[%add3A_64, %dma_start3A_70] : memref<8192x64xf32, #tpu.memory_space<hbm>> -> memref<128x64xf32, #tpu.memory_space<hbm>>
    %dma_start3A_72 = arith.constant 0 : i32
    %dma_start3A_73 = arith.constant 0 : i32
    %dma_start3A_74 = tpu.memref_slice %arg8[%dma_start3A_72, %dma_start3A_73] : memref<256x64xf32, #tpu.memory_space<vmem>> -> memref<128x64xf32, #tpu.memory_space<vmem>>
    tpu.enqueue_dma source(%dma_start3A_74 : memref<128x64xf32, #tpu.memory_space<vmem>>) target(%dma_start3A_71 : memref<128x64xf32, #tpu.memory_space<hbm>>) target_semaphore(%arg12 : memref<!tpu.dma_semaphore, #tpu.memory_space<semaphore_mem>>)
    %add3A_75 = arith.constant 0 : i32
    %add3A_76 = arith.addi %mul3A_2, %add3A_75 : i32
    %dma_start3A_77 = arith.constant 0 : i32
    %dma_start3A_78 = arith.constant 0 : i32
    %dma_start3A_79 = tpu.memref_slice %arg9[%dma_start3A_77, %dma_start3A_78] : memref<256x64xf32, #tpu.memory_space<vmem>> -> memref<128x64xf32, #tpu.memory_space<vmem>>
    %dma_start3A_80 = arith.constant 0 : i32
    %dma_start3A_81 = tpu.memref_slice %arg6[%add3A_76, %dma_start3A_80] : memref<8192x64xf32, #tpu.memory_space<hbm>> -> memref<128x64xf32, #tpu.memory_space<hbm>>
    %dma_start3A_82 = arith.constant 0 : i32
    %dma_start3A_83 = tpu.memref_slice %arg6[%add3A_76, %dma_start3A_82] : memref<8192x64xf32, #tpu.memory_space<hbm>> -> memref<128x64xf32, #tpu.memory_space<hbm>>
    %dma_start3A_84 = arith.constant 0 : i32
    %dma_start3A_85 = arith.constant 0 : i32
    %dma_start3A_86 = tpu.memref_slice %arg9[%dma_start3A_84, %dma_start3A_85] : memref<256x64xf32, #tpu.memory_space<vmem>> -> memref<128x64xf32, #tpu.memory_space<vmem>>
    tpu.enqueue_dma source(%dma_start3A_86 : memref<128x64xf32, #tpu.memory_space<vmem>>) target(%dma_start3A_83 : memref<128x64xf32, #tpu.memory_space<hbm>>) target_semaphore(%arg12 : memref<!tpu.dma_semaphore, #tpu.memory_space<semaphore_mem>>)
    %dma_wait3A_87 = arith.constant 1 : i32
    %dma_wait3A_88 = arith.constant 128 : i32
    %dma_wait3A_89 = arith.constant 0 : i32
    %dma_wait3A_90 = tpu.memref_slice %arg8[%dma_wait3A_88, %dma_wait3A_89] : memref<256x64xf32, #tpu.memory_space<vmem>> -> memref<128x64xf32, #tpu.memory_space<vmem>>
    %dma_wait3A_91 = arith.constant 0 : i32
    %dma_wait3A_92 = tpu.memref_slice %arg7[%dma_wait3A_87, %dma_wait3A_91] : memref<2x128xi32, #tpu.memory_space<vmem>> -> memref<1x128xi32, #tpu.memory_space<vmem>>
    %dma_wait3A_93 = tpu.memref_squeeze %dma_wait3A_92 : memref<1x128xi32, #tpu.memory_space<vmem>> -> memref<128xi32, #tpu.memory_space<vmem>>
    %dma_wait3A_94 = arith.constant 0 : i32
    %dma_wait3A_95 = arith.constant 0 : i32
    %dma_wait3A_96 = tpu.memref_slice %arg2[%dma_wait3A_94, %dma_wait3A_95] : memref<4096x64xf32, #tpu.memory_space<hbm>> -> memref<4096x64xf32, #tpu.memory_space<hbm>>
    tpu.wait_indirect_dma semaphore(%arg11 : memref<!tpu.dma_semaphore, #tpu.memory_space<semaphore_mem>>) src(%dma_wait3A_96 : memref<4096x64xf32, #tpu.memory_space<hbm>>) dst(%dma_wait3A_90 : memref<128x64xf32, #tpu.memory_space<vmem>>)
    %dma_wait3A_97 = arith.constant 1 : i32
    %dma_wait3A_98 = arith.constant 128 : i32
    %dma_wait3A_99 = arith.constant 0 : i32
    %dma_wait3A_100 = tpu.memref_slice %arg9[%dma_wait3A_98, %dma_wait3A_99] : memref<256x64xf32, #tpu.memory_space<vmem>> -> memref<128x64xf32, #tpu.memory_space<vmem>>
    %dma_wait3A_101 = arith.constant 0 : i32
    %dma_wait3A_102 = tpu.memref_slice %arg7[%dma_wait3A_97, %dma_wait3A_101] : memref<2x128xi32, #tpu.memory_space<vmem>> -> memref<1x128xi32, #tpu.memory_space<vmem>>
    %dma_wait3A_103 = tpu.memref_squeeze %dma_wait3A_102 : memref<1x128xi32, #tpu.memory_space<vmem>> -> memref<128xi32, #tpu.memory_space<vmem>>
    %dma_wait3A_104 = arith.constant 0 : i32
    %dma_wait3A_105 = arith.constant 0 : i32
    %dma_wait3A_106 = tpu.memref_slice %arg3[%dma_wait3A_104, %dma_wait3A_105] : memref<4096x64xf32, #tpu.memory_space<hbm>> -> memref<4096x64xf32, #tpu.memory_space<hbm>>
    tpu.wait_indirect_dma semaphore(%arg11 : memref<!tpu.dma_semaphore, #tpu.memory_space<semaphore_mem>>) src(%dma_wait3A_106 : memref<4096x64xf32, #tpu.memory_space<hbm>>) dst(%dma_wait3A_100 : memref<128x64xf32, #tpu.memory_space<vmem>>)
    %add3A_107 = arith.constant 128 : i32
    %add3A_108 = arith.addi %mul3A_2, %add3A_107 : i32
    %dma_start3A_109 = arith.constant 128 : i32
    %dma_start3A_110 = arith.constant 0 : i32
    %dma_start3A_111 = tpu.memref_slice %arg8[%dma_start3A_109, %dma_start3A_110] : memref<256x64xf32, #tpu.memory_space<vmem>> -> memref<128x64xf32, #tpu.memory_space<vmem>>
    %dma_start3A_112 = arith.constant 0 : i32
    %dma_start3A_113 = tpu.memref_slice %arg5[%add3A_108, %dma_start3A_112] : memref<8192x64xf32, #tpu.memory_space<hbm>> -> memref<128x64xf32, #tpu.memory_space<hbm>>
    %dma_start3A_114 = arith.constant 0 : i32
    %dma_start3A_115 = tpu.memref_slice %arg5[%add3A_108, %dma_start3A_114] : memref<8192x64xf32, #tpu.memory_space<hbm>> -> memref<128x64xf32, #tpu.memory_space<hbm>>
    %dma_start3A_116 = arith.constant 128 : i32
    %dma_start3A_117 = arith.constant 0 : i32
    %dma_start3A_118 = tpu.memref_slice %arg8[%dma_start3A_116, %dma_start3A_117] : memref<256x64xf32, #tpu.memory_space<vmem>> -> memref<128x64xf32, #tpu.memory_space<vmem>>
    tpu.enqueue_dma source(%dma_start3A_118 : memref<128x64xf32, #tpu.memory_space<vmem>>) target(%dma_start3A_115 : memref<128x64xf32, #tpu.memory_space<hbm>>) target_semaphore(%arg12 : memref<!tpu.dma_semaphore, #tpu.memory_space<semaphore_mem>>)
    %add3A_119 = arith.constant 128 : i32
    %add3A_120 = arith.addi %mul3A_2, %add3A_119 : i32
    %dma_start3A_121 = arith.constant 128 : i32
    %dma_start3A_122 = arith.constant 0 : i32
    %dma_start3A_123 = tpu.memref_slice %arg9[%dma_start3A_121, %dma_start3A_122] : memref<256x64xf32, #tpu.memory_space<vmem>> -> memref<128x64xf32, #tpu.memory_space<vmem>>
    %dma_start3A_124 = arith.constant 0 : i32
    %dma_start3A_125 = tpu.memref_slice %arg6[%add3A_120, %dma_start3A_124] : memref<8192x64xf32, #tpu.memory_space<hbm>> -> memref<128x64xf32, #tpu.memory_space<hbm>>
    %dma_start3A_126 = arith.constant 0 : i32
    %dma_start3A_127 = tpu.memref_slice %arg6[%add3A_120, %dma_start3A_126] : memref<8192x64xf32, #tpu.memory_space<hbm>> -> memref<128x64xf32, #tpu.memory_space<hbm>>
    %dma_start3A_128 = arith.constant 128 : i32
    %dma_start3A_129 = arith.constant 0 : i32
    %dma_start3A_130 = tpu.memref_slice %arg9[%dma_start3A_128, %dma_start3A_129] : memref<256x64xf32, #tpu.memory_space<vmem>> -> memref<128x64xf32, #tpu.memory_space<vmem>>
    tpu.enqueue_dma source(%dma_start3A_130 : memref<128x64xf32, #tpu.memory_space<vmem>>) target(%dma_start3A_127 : memref<128x64xf32, #tpu.memory_space<hbm>>) target_semaphore(%arg12 : memref<!tpu.dma_semaphore, #tpu.memory_space<semaphore_mem>>)
    %dma_wait3A_131 = arith.constant 0 : i32
    %dma_wait3A_132 = arith.constant 0 : i32
    %dma_wait3A_133 = tpu.memref_slice %arg8[%dma_wait3A_131, %dma_wait3A_132] : memref<256x64xf32, #tpu.memory_space<vmem>> -> memref<128x64xf32, #tpu.memory_space<vmem>>
    %dma_wait3A_134 = arith.constant 0 : i32
    %dma_wait3A_135 = tpu.memref_slice %arg5[%add3A_64, %dma_wait3A_134] : memref<8192x64xf32, #tpu.memory_space<hbm>> -> memref<128x64xf32, #tpu.memory_space<hbm>>
    %dma_wait3A_136 = arith.constant 0 : i32
    %dma_wait3A_137 = tpu.memref_slice %arg5[%add3A_64, %dma_wait3A_136] : memref<8192x64xf32, #tpu.memory_space<hbm>> -> memref<128x64xf32, #tpu.memory_space<hbm>>
    %dma_wait3A_138 = arith.constant 0 : i32
    %dma_wait3A_139 = arith.constant 0 : i32
    %dma_wait3A_140 = tpu.memref_slice %arg8[%dma_wait3A_138, %dma_wait3A_139] : memref<256x64xf32, #tpu.memory_space<vmem>> -> memref<128x64xf32, #tpu.memory_space<vmem>>
    tpu.wait_dma2 semaphore(%arg12 : memref<!tpu.dma_semaphore, #tpu.memory_space<semaphore_mem>>) src(%dma_wait3A_140 : memref<128x64xf32, #tpu.memory_space<vmem>>) dst(%dma_wait3A_137 : memref<128x64xf32, #tpu.memory_space<hbm>>)
    %dma_wait3A_141 = arith.constant 0 : i32
    %dma_wait3A_142 = arith.constant 0 : i32
    %dma_wait3A_143 = tpu.memref_slice %arg9[%dma_wait3A_141, %dma_wait3A_142] : memref<256x64xf32, #tpu.memory_space<vmem>> -> memref<128x64xf32, #tpu.memory_space<vmem>>
    %dma_wait3A_144 = arith.constant 0 : i32
    %dma_wait3A_145 = tpu.memref_slice %arg6[%add3A_76, %dma_wait3A_144] : memref<8192x64xf32, #tpu.memory_space<hbm>> -> memref<128x64xf32, #tpu.memory_space<hbm>>
    %dma_wait3A_146 = arith.constant 0 : i32
    %dma_wait3A_147 = tpu.memref_slice %arg6[%add3A_76, %dma_wait3A_146] : memref<8192x64xf32, #tpu.memory_space<hbm>> -> memref<128x64xf32, #tpu.memory_space<hbm>>
    %dma_wait3A_148 = arith.constant 0 : i32
    %dma_wait3A_149 = arith.constant 0 : i32
    %dma_wait3A_150 = tpu.memref_slice %arg9[%dma_wait3A_148, %dma_wait3A_149] : memref<256x64xf32, #tpu.memory_space<vmem>> -> memref<128x64xf32, #tpu.memory_space<vmem>>
    tpu.wait_dma2 semaphore(%arg12 : memref<!tpu.dma_semaphore, #tpu.memory_space<semaphore_mem>>) src(%dma_wait3A_150 : memref<128x64xf32, #tpu.memory_space<vmem>>) dst(%dma_wait3A_147 : memref<128x64xf32, #tpu.memory_space<hbm>>)
    %dma_wait3A_151 = arith.constant 128 : i32
    %dma_wait3A_152 = arith.constant 0 : i32
    %dma_wait3A_153 = tpu.memref_slice %arg8[%dma_wait3A_151, %dma_wait3A_152] : memref<256x64xf32, #tpu.memory_space<vmem>> -> memref<128x64xf32, #tpu.memory_space<vmem>>
    %dma_wait3A_154 = arith.constant 0 : i32
    %dma_wait3A_155 = tpu.memref_slice %arg5[%add3A_108, %dma_wait3A_154] : memref<8192x64xf32, #tpu.memory_space<hbm>> -> memref<128x64xf32, #tpu.memory_space<hbm>>
    %dma_wait3A_156 = arith.constant 0 : i32
    %dma_wait3A_157 = tpu.memref_slice %arg5[%add3A_108, %dma_wait3A_156] : memref<8192x64xf32, #tpu.memory_space<hbm>> -> memref<128x64xf32, #tpu.memory_space<hbm>>
    %dma_wait3A_158 = arith.constant 128 : i32
    %dma_wait3A_159 = arith.constant 0 : i32
    %dma_wait3A_160 = tpu.memref_slice %arg8[%dma_wait3A_158, %dma_wait3A_159] : memref<256x64xf32, #tpu.memory_space<vmem>> -> memref<128x64xf32, #tpu.memory_space<vmem>>
    tpu.wait_dma2 semaphore(%arg12 : memref<!tpu.dma_semaphore, #tpu.memory_space<semaphore_mem>>) src(%dma_wait3A_160 : memref<128x64xf32, #tpu.memory_space<vmem>>) dst(%dma_wait3A_157 : memref<128x64xf32, #tpu.memory_space<hbm>>)
    %dma_wait3A_161 = arith.constant 128 : i32
    %dma_wait3A_162 = arith.constant 0 : i32
    %dma_wait3A_163 = tpu.memref_slice %arg9[%dma_wait3A_161, %dma_wait3A_162] : memref<256x64xf32, #tpu.memory_space<vmem>> -> memref<128x64xf32, #tpu.memory_space<vmem>>
    %dma_wait3A_164 = arith.constant 0 : i32
    %dma_wait3A_165 = tpu.memref_slice %arg6[%add3A_120, %dma_wait3A_164] : memref<8192x64xf32, #tpu.memory_space<hbm>> -> memref<128x64xf32, #tpu.memory_space<hbm>>
    %dma_wait3A_166 = arith.constant 0 : i32
    %dma_wait3A_167 = tpu.memref_slice %arg6[%add3A_120, %dma_wait3A_166] : memref<8192x64xf32, #tpu.memory_space<hbm>> -> memref<128x64xf32, #tpu.memory_space<hbm>>
    %dma_wait3A_168 = arith.constant 128 : i32
    %dma_wait3A_169 = arith.constant 0 : i32
    %dma_wait3A_170 = tpu.memref_slice %arg9[%dma_wait3A_168, %dma_wait3A_169] : memref<256x64xf32, #tpu.memory_space<vmem>> -> memref<128x64xf32, #tpu.memory_space<vmem>>
    tpu.wait_dma2 semaphore(%arg12 : memref<!tpu.dma_semaphore, #tpu.memory_space<semaphore_mem>>) src(%dma_wait3A_170 : memref<128x64xf32, #tpu.memory_space<vmem>>) dst(%dma_wait3A_167 : memref<128x64xf32, #tpu.memory_space<hbm>>)
    return
  }
}

</mosaic_0001>

<sc_bundles>
// kernel: kernel.3.cloned.1.call-start
scs
__scs_entry_jumppad:
0x0: {  	(pc) =	sbr.rel $0x88, $3  }
0x1: {  	(tag) =	ssettag $0x0;
	lr =	simm.s32 $0x1  }
0x2: {  	[smem:$0x3FA0] =	sst lr;
	_ =	strace $0xD0000000  }
0x3: {  	_ = 	snop  }
0x4: {  	_ = 	snop  }
0x5: {  	_ = 	snop  }
0x6: {  	_ = 	snop  }
0x7: {  	_ = 	snop  }
__scs_overlays_trampoline_lowered:
0x8: {  	[smem:$0x3FAF] =	sst s0  }
0x9: {  	[smem:$0x3FB0] =	sst s1  }
0xa: {  	[smem:$0x3FB1] =	sst s2  }
0xb: {  	[smem:$0x3FB2] =	sst s3  }
0xc: {  	[smem:$0x3FB3] =	sst s4  }
0xd: {  	[smem:$0x3FB4] =	sst s5  }
0xe: {  	[smem:$0x3FB5] =	sst s6  }
0xf: {  	[smem:$0x3FB6] =	sst s7  }
0x10: {  	[smem:$0x3FB7] =	sst s8  }
0x11: {  	[smem:$0x3FB8] =	sst s9;
	s0 =	simm.s32 @!p0 $0x0  }
0x12: {  	s1 =	sld [smem:$0x3F9E];
	s0 =	simm.s32 @p0 $0x1  }
0x13: {  	[smem:$0x3FB9] =	sst s0;
	s0 =	simm.s32 @!p1 $0x0  }
0x14: {  	s2 =	sld [smem:$0x3F9D];
	s0 =	simm.s32 @p1 $0x1  }
0x15: {  	[smem:$0x3FBA] =	sst s0;
	s0 =	simm.s32 @!p2 $0x0  }
0x16: {  	s3 =	sld [smem:$0x3FDB];
	s0 =	simm.s32 @p2 $0x1  }
0x17: {  	s4 =	simm.s32 $0x1BF5;
	[smem:$0x3FBC] =	sst s0  }
0x18: {  	s0 =	sld [smem:$0x3F9F];
	_ =	swait.ge [sflag:s4], $0x0  }
0x19: {  	s7 =	sld [smem:$0x3FA0]  }
0x1a: {  	s8 =	sadd.s32 $0xFFFFE003, lr  }
0x1b: {  	s9 =	sadd.s32 $0xFFFFFEF7, lr;
	s5 =	simm.s32 $0xFFFFFFFF;
	p2 =	slt.u32 s8, $0xFFFFF086  }
0x1c: {  	p1 =	slt.u32 s9, $0xF7A;
	s5 =	simm.s32 @!p2 $0x0  }
0x1d: {  	s5 =	simm.s32 @p1 $0x1;
	p0 =	seq.s32 s7, s2  }
0x1e: {  	s7 =	smul.u32 @!p0 $0xF7A, s2;
	p2 =	seq.s32 @!p0 s5, $0x0  }
0x1f: {  	s9 =	smul.u32 $0xF7A, s1;
	s8 =	simm.s32 @!p0 $0x1BF5;
	p2 =	por !p2, p0  }
0x20: {  	[sflag:s8] =	ssyncset.s32 @!p0 $0xFFFFF086;
	s6 =	sadd.s32 @!p0 s3, s7;
	s7 =	simm.s32 @!p0 $0x108  }
0x21: {  	s3 =	sadd.s32 s3, s9;
	s6 =	sadd.s32 @!p0 $0x88, s6;
	s7 =	simm.s32 @p2 $0x1082  }
0x22: {  	[simem:s7], [sflag:s8] =	dma.local @!p0 [hbm:s6], $0xF7A  }
0x23: {  	s9 =	sor.u32 $0xD0000000, s2;
	s6 =	simm.s32 $0x108;
	_ =	swait.ge @!p0 [sflag:s8], $0x0  }
0x24: {  	s3 =	sadd.s32 $0x88, s3;
	s6 =	simm.s32 @!p1 $0x1082;
	[sflag:s4] =	ssyncset.s32 $0xFFFFF086  }
0x25: {  	[simem:s6], [sflag:s4] =	dma.local [hbm:s3], $0xF7A  }
0x26: {  	[smem:$0x3FA0] =	sst s1;
	(tag) =	ssettag s2;
	_ =	strace s9  }
0x27: {  	s1 =	sld [smem:$0x3FB0]  }
0x28: {  	s2 =	sld [smem:$0x3FB1]  }
0x29: {  	s4 =	sld [smem:$0x3FB3]  }
0x2a: {  	p0 =	seq.s32 s5, $0x0;
	s5 =	sld [smem:$0x3FB4]  }
0x2b: {  	s6 =	sld [smem:$0x3FB5]  }
0x2c: {  	s7 =	sld [smem:$0x3FB6]  }
0x2d: {  	s3 =	simm.s32 $0x108;
	s8 =	sld [smem:$0x3FB7]  }
0x2e: {  	s3 =	simm.s32 @!p0 $0x1082;
	s9 =	sld [smem:$0x3FB8]  }
0x2f: {  	lr =	sadd.s32 s0, s3;
	s0 =	sld [smem:$0x3FAF]  }
0x30: {  	s3 =	sld [smem:$0x3FB2]  }
0x31: {  	[smem:$0x3FBB] =	sst s10  }
0x32: {  	s10 =	sld [smem:$0x3FB9];
	_ =	sdelay $0x3  }
0x33: {  	p0 =	seq.s32 s10, $0x1;
	s10 =	sld [smem:$0x3FBB];
	_ =	sdelay $0x3  }
0x34: {  	[smem:$0x3FBB] =	sst s10  }
0x35: {  	s10 =	sld [smem:$0x3FBA];
	_ =	sdelay $0x3  }
0x36: {  	p1 =	seq.s32 s10, $0x1;
	s10 =	sld [smem:$0x3FBB];
	_ =	sdelay $0x3  }
0x37: {  	[smem:$0x3FBB] =	sst s10  }
0x38: {  	s10 =	sld [smem:$0x3FBC]  }
0x39: {  	_ = 	snop;
	(pc) =	sbr.ind lr, $3  }
0x3a: {  	_ = 	snop  }
0x3b: {  	_ = 	snop  }
0x3c: {  	p2 =	seq.s32 s10, $0x1;
	s10 =	sld [smem:$0x3FBB]  }
0x3d: {  	_ =	shalt  }
0x3e: {  	_ =	shalt  }
0x3f: {  	_ =	shalt  }
0x40: {  	_ =	shalt  }
0x41: {  	_ =	shalt  }
0x42: {  	_ =	shalt  }
0x43: {  	_ =	shalt  }
0x44: {  	_ =	shalt  }
0x45: {  	_ =	shalt  }
0x46: {  	_ =	shalt  }
0x47: {  	_ =	shalt  }
0x48: {  	_ =	shalt  }
0x49: {  	_ =	shalt  }
0x4a: {  	_ =	shalt  }
0x4b: {  	_ =	shalt  }
0x4c: {  	_ =	shalt  }
0x4d: {  	_ =	shalt  }
0x4e: {  	_ =	shalt  }
0x4f: {  	_ =	shalt  }
0x50: {  	_ =	shalt  }
0x51: {  	_ =	shalt  }
0x52: {  	_ =	shalt  }
0x53: {  	_ =	shalt  }
0x54: {  	_ =	shalt  }
0x55: {  	_ =	shalt  }
0x56: {  	_ =	shalt  }
0x57: {  	_ =	shalt  }
0x58: {  	_ =	shalt  }
0x59: {  	_ =	shalt  }
0x5a: {  	_ =	shalt  }
0x5b: {  	_ =	shalt  }
0x5c: {  	_ =	shalt  }
0x5d: {  	_ =	shalt  }
0x5e: {  	_ =	shalt  }
0x5f: {  	_ =	shalt  }
0x60: {  	_ =	shalt  }
0x61: {  	_ =	shalt  }
0x62: {  	_ =	shalt  }
0x63: {  	_ =	shalt  }
0x64: {  	_ =	shalt  }
0x65: {  	_ =	shalt  }
0x66: {  	_ =	shalt  }
0x67: {  	_ =	shalt  }
0x68: {  	_ =	shalt  }
0x69: {  	_ =	shalt  }
0x6a: {  	_ =	shalt  }
0x6b: {  	_ =	shalt  }
0x6c: {  	_ =	shalt  }
0x6d: {  	_ =	shalt  }
0x6e: {  	_ =	shalt  }
0x6f: {  	_ =	shalt  }
0x70: {  	_ =	shalt  }
0x71: {  	_ =	shalt  }
0x72: {  	_ =	shalt  }
0x73: {  	_ =	shalt  }
0x74: {  	_ =	shalt  }
0x75: {  	_ =	shalt  }
0x76: {  	_ =	shalt  }
0x77: {  	_ =	shalt  }
0x78: {  	_ =	shalt  }
0x79: {  	_ =	shalt  }
0x7a: {  	_ =	shalt  }
0x7b: {  	_ =	shalt  }
0x7c: {  	_ =	shalt  }
0x7d: {  	_ =	shalt  }
0x7e: {  	_ =	shalt  }
0x7f: {  	_ =	shalt  }
0x80: {  	_ =	shalt  }
0x81: {  	_ =	shalt  }
0x82: {  	_ =	shalt  }
0x83: {  	_ =	shalt  }
0x84: {  	_ =	shalt  }
0x85: {  	_ =	shalt  }
0x86: {  	_ =	shalt  }
0x87: {  	_ =	shalt  }
.Lfunc_end0:
.L_simem_size_0:
called_computation_lowered:
.L_overlay_start_0:
0x88: {  	s2 =	sld [smem:$0x3FD9]  }
0x89: {  	s3 =	sld [smem:$0x3FFE];
	_ =	sdelay $0x1  }
0x8a: {  	s1 =	srdreg.scid  }
0x8b: {  	s0 =	sand.u32 $0x1, s1  }
0x8c: {  	s14 =	sshll.u32 s0, $0xA;
	s2 =	sadd.s32 s3, s2  }
0x8d: {  	s2 =	sadd.s32 s2, s14  }
0x8e: {  	[smem:$0x3FC7] =	sst s2  }
0x8f: {  	_ = 	snop  }
0x90: {  	s2 =	sld [smem:$0x3FD0];
	_ =	sdelay $0x2  }
0x91: {  	s15 =	simm.s32 $0xA;
	s4 =	simm.s32 $0x10  }
0x92: {  	[smem:s4], [sflag:s15] =	dma.local [hbm:s2], $0x1  }
0x93: {  	_ =	swait.eq [sflag:s15], $0x1  }
0x94: {  	[sflag:s15] =	ssyncset.done $0x0  }
0x95: {  	s16 =	sld [smem:$0x10];
	[sflag:s15] =	ssyncadd.s32 $0xFFFFFFFF  }
0x96: {  	s17 =	sld [smem:$0x11];
	(tm) =	ssettm $0x1  }
0x97: {  	s18 =	sld [smem:$0x3FFB];
	_ =	sdelay $0x3  }
0x98: {  	_ =	strace s18  }
0x99: {  	s4 =	sld [smem:$0x3FFC];
	_ =	sdelay $0x3  }
0x9a: {  	_ =	strace s4  }
0x9b: {  	s4 =	sld [smem:$0x3FFD];
	_ =	sdelay $0x3  }
0x9c: {  	_ =	strace s4  }
0x9d: {  	_ =	strace $0x8FFFFFFF  }
0x9e: {  	s19 =	sld [smem:$0x3FDB];
	_ =	sdelay $0x1  }
0x9f: {  	s5 =	simm.s32 $_scs_section_size  }
0xa0: {  	s6 =	simm.s32 $_size__tile_overlayer_lowered;
	s7 =	simm.s32 $_tile_overlayer_lowered  }
0xa1: {  	s22 =	simm.s32 $0x1BFF;
	s21 =	sshll.u32 s7, $0x1;
	s4 =	sadd.s32 s5, s19  }
0xa2: {  	s8 =	simm.s32 $0x0;
	s20 =	sshll.u32 s6, $0x1;
	s6 =	sadd.s32 s21, s4  }
0xa3: {  	[timem:s8], [sflag:s22] =	dma.local [hbm:s6], s20  }
0xa4: {  	_ =	swait.ge [sflag:s22], s20  }
0xa5: {  	s5 =	ssub.s32 $0x0, s20;
	[sflag:s22] =	ssyncset.done $0x0  }
0xa6: {  	[sflag:s22] =	ssyncadd.s32 s5;
	_ =	sdelay $0x1  }
0xa7: {  	s23 =	simm.s32 $0x1B8B  }
0xa8: {  	_ =	swait.ge [sflag:s23], $0x1  }
0xa9: {  	[sflag:s23] =	ssyncset.done $0x0  }
0xaa: {  	s25 =	simm.s32 $0x1B8E;
	s24 =	sld [smem:$0x3FFE];
	[sflag:s23] =	ssyncadd.s32 $0xFFFFFFFF  }
0xab: {  	s26 =	simm.s32 $execute0_lowered;
	[smem:$0x3FD2] =	sst s25  }
0xac: {  	s6 =	sshll.u32 s26, $0x1;
	_ =	strace $0x80000046;
	[dreg:$0x1] =	wrdreg $0xFFFFFFFF  }
0xad: {  	s28 =	simm.s32 $_size_execute0_lowered;
	s4 =	sadd.s32 s4, s6;
	[dreg:$0x0] =	wrdreg $0x0  }
0xae: {  	s6 =	sshll.u32 s28, $0x1;
	[dreg:$0x2] =	wrdreg s4  }
0xaf: {  	[dreg:$0x3] =	wrdreg s6  }
0xb0: {  	[dreg:$0x4] =	wrdreg $0xC0  }
0xb1: {  	_ =	task [dreg:s8], $0x5FFFF  }
0xb2: {  	[dreg:$0x1] =	wrdreg $0xFFFFFFFF  }
0xb3: {  	[dreg:$0x0] =	wrdreg $0x60  }
0xb4: {  	[dreg:$0x2] =	wrdreg s24  }
0xb5: {  	[dreg:$0x3] =	wrdreg s16  }
0xb6: {  	[dreg:$0x4] =	wrdreg s17  }
0xb7: {  	[dreg:$0x5] =	wrdreg $0x9  }
0xb8: {  	_ =	task.clear_ibuf [dreg:s8], $0x6FFFF;
	_ =	strace $0x90000046  }
0xb9: {  	s29 =	simm.s32 $0x9;
	_ =	strace $0x80000048  }
0xba: {  	_ =	swait.ge [sflag:s29], $0x1  }
0xbb: {  	[sflag:s29] =	ssyncadd.s32 $0xFFFFFFFF  }
0xbc: {  	_ =	strace $0x90000048  }
0xbd: {  	_ =	sfence  }
0xbe: {  	s30 =	sld [smem:$0x0];
	_ =	sdelay $0x2  }
0xbf: {  	s31 =	sshll.u32 s1, $0xD;
	s1 =	sshrl.u32 s1, $0x2  }
0xc0: {  	s3 =	sand.u32 $0x4000, s31;
	s1 =	sadd.s32 s1, s30  }
0xc1: {  	s0 =	sor.u32 s3, s0;
	s1 =	sshll.u32 s1, $0x11  }
0xc2: {  	s0 =	sor.u32 s1, s0  }
0xc3: {  	s0 =	sadd.s32 $0x8F2B, s0  }
0xc4: {  	[sflag:s0] =	ssyncadd.remote.s32 $0x1  }
0xc5: {  	_ =	sfence.sel $0xFFFF  }
0xc6: {  	[dreg:$0x0] =	wrdreg $0xFFFFFFFF;
	(pc) =	sbr.abs _section_cstart, $3  }
0xc7: {  	[dreg:$0x1] =	wrdreg $0xFFFFFFFF  }
0xc8: {  	_ =	task.clear_ibuf [dreg:s8], $0x2FFFF;
	_ =	strace $0x9FFFFFFF  }
0xc9: {  	(tm) =	ssettm $0x7FFFFFFF  }
tec
execute0_lowered:
.L_overlay_start_1:
0x0: {  	(tag) =	ssettag $0x1  }
0x1: {  	s1 =	srdreg.scid;
	s0 =	stileid.u32  }
0x2: {  	s8 =	rddreg [dreg:$0x0];
	s19 =	sand.u32 $0x1, s1;
	s31 =	sshll.u32 s0, $0x1  }
0x3: {  	s16 =	rddreg [dreg:$0x1];
	s13 =	sor.u32 s19, s31  }
0x4: {  	s17 =	rddreg [dreg:$0x2];
	s2 =	simm.s32 $0x0;
	s3 =	sshll.u32 s13, $0x5  }
0x5: {  	s4 =	simm.s32 $0x4;
	[smem:$0x7FF] =	sst s2;
	s3 =	sadd.s32 s3, s8  }
0x6: {  	s1 =	rddreg [dreg:$0x3];
	_ =	strace $0x80000047;
	s3 =	sadd.s32 $0xC00, s3  }
0x7: {  	[tilespmem:s2], [sflag:$0x4] =	stream.linear.gather [hbm4b:s3+s2], $0x100, $0x38;
	[tilespmem:$0x8100] =	vst v63  }
0x8: {  	_ =	swait.ge [sflag:s4], $0x100  }
0x9: {  	s6 =	simm.s32 $0x80;
	[sflag:s4] =	ssyncset.done $0x0  }
0xa: {  	s7 =	simm.s32 $0x100;
	s5 =	sadd.s32 $0x1000, s8;
	[sflag:s4] =	ssyncadd.s32 $0xFFFFFF00  }
0xb: {  	[tilespmem:s7], [sflag:$0x1] =	stream.indirect.gather [hbm4b:s5+s6], $0x40, s2, s6, $0xb8;
	[tilespmem:$0x8100] =	vst v63  }
0xc: {  	s9 =	simm.s32 $0x4100;
	s8 =	sadd.s32 $0x9000, s8  }
0xd: {  	[tilespmem:s9], [sflag:$0x1] =	stream.indirect.gather [hbm4b:s8+s6], $0x40, s2, s6, $0xb8;
	[tilespmem:$0x8100] =	vst v63  }
0xe: {  	s10 =	simm.s32 $0x2100  }
0xf: {  	[tilespmem:s10], [sflag:$0x2] =	stream.indirect.gather [hbm4b:s5+s6], $0x40, s6, s6, $0xb8;
	[tilespmem:$0x8100] =	vst v63  }
0x10: {  	s11 =	simm.s32 $0x6100;
	s12 =	simm.s32 $0x1  }
0x11: {  	[tilespmem:s11], [sflag:$0x2] =	stream.indirect.gather [hbm4b:s8+s6], $0x40, s6, s6, $0xb8;
	[tilespmem:$0x8100] =	vst v63  }
0x12: {  	_ =	swait.ge [sflag:s12], $0x2000  }
0x13: {  	[sflag:s12] =	ssyncset.done $0x0  }
0x14: {  	[sflag:s12] =	ssyncadd.s32 $0xFFFFE000  }
0x15: {  	_ =	swait.ge [sflag:s12], $0x2000  }
0x16: {  	s18 =	sshll.u32 s13, $0xB;
	[sflag:s12] =	ssyncset.done $0x0  }
0x17: {  	s13 =	sadd.s32 s16, s18;
	[sflag:s12] =	ssyncadd.s32 $0xFFFFE000  }
0x18: {  	[hbm4b:s13+s2] =	stream.linear.scatter [tilespmem:s7], [sflag:$0x3], $0x2000, $0x38;
	[tilespmem:$0x8100] =	vst v63  }
0x19: {  	s15 =	simm.s32 $0x2;
	s14 =	sadd.s32 s17, s18  }
0x1a: {  	[hbm4b:s14+s2] =	stream.linear.scatter [tilespmem:s9], [sflag:$0x3], $0x2000, $0x38;
	[tilespmem:$0x8100] =	vst v63  }
0x1b: {  	_ =	swait.ge [sflag:s15], $0x2000  }
0x1c: {  	[sflag:s15] =	ssyncset.done $0x0  }
0x1d: {  	[sflag:s15] =	ssyncadd.s32 $0xFFFFE000  }
0x1e: {  	_ =	swait.ge [sflag:s15], $0x2000  }
0x1f: {  	s18 =	sor.u32 $0x400, s18;
	[sflag:s15] =	ssyncset.done $0x0  }
0x20: {  	s16 =	sadd.s32 s16, s18;
	[sflag:s15] =	ssyncadd.s32 $0xFFFFE000  }
0x21: {  	[hbm4b:s16+s2] =	stream.linear.scatter [tilespmem:s10], [sflag:$0x3], $0x2000, $0x38;
	[tilespmem:$0x8100] =	vst v63  }
0x22: {  	s18 =	sadd.s32 s17, s18;
	s17 =	simm.s32 $0x3  }
0x23: {  	[hbm4b:s18+s2] =	stream.linear.scatter [tilespmem:s11], [sflag:$0x3], $0x2000, $0x38;
	[tilespmem:$0x8100] =	vst v63  }
0x24: {  	_ =	swait.ge [sflag:s17], $0x2000  }
0x25: {  	s19 =	ssub.s32 $0x2, s19;
	[sflag:s17] =	ssyncset.done $0x0  }
0x26: {  	s20 =	sshrl.u32 s19, $0x1;
	[sflag:s17] =	ssyncadd.s32 $0xFFFFE000  }
0x27: {  	s19 =	ssub.s32 s19, s20;
	_ =	swait.ge [sflag:s17], $0x2000  }
0x28: {  	s19 =	smax.u32 s19, $0x1;
	[sflag:s17] =	ssyncset.done $0x0  }
0x29: {  	p0 =	sne.s32 s19, $0x1;
	[sflag:s17] =	ssyncadd.s32 $0xFFFFE000  }
.Ltmp0:
0x2a: {  	_ =	swait.ge [sflag:s17], $0x2000;
	(pc) =	sbr.rel @!p0 .LBB2_2-.Ltmp0, $4  }
0x2b: {  	[sflag:s17] =	ssyncset.done $0x0  }
0x2c: {  	[sflag:s17] =	ssyncadd.s32 $0xFFFFE000  }
0x2d: {  	_ =	swait.ge [sflag:s17], $0x2000  }
0x2e: {  	s19 =	sadd.s32 $0xFFFFFFFF, s19;
	[sflag:s17] =	ssyncset.done $0x0  }
.LBB2_1:
0x2f: {  	p0 =	sne.s32 s19, $0x1;
	s19 =	sadd.s32 $0xFFFFFFFF, s19;
	[sflag:s17] =	ssyncadd.s32 $0xFFFFE000  }
0x30: {  	[tilespmem:s2], [sflag:$0x4] =	stream.linear.gather [hbm4b:s3+s2], $0x100, $0x38;
	[tilespmem:$0x8100] =	vst v63  }
0x31: {  	_ =	swait.ge [sflag:s4], $0x100  }
0x32: {  	[sflag:s4] =	ssyncset.done $0x0  }
0x33: {  	[sflag:s4] =	ssyncadd.s32 $0xFFFFFF00  }
0x34: {  	[tilespmem:s7], [sflag:$0x1] =	stream.indirect.gather [hbm4b:s5+s6], $0x40, s2, s6, $0xb8;
	[tilespmem:$0x8100] =	vst v63  }
0x35: {  	_ = 	snop  }
0x36: {  	[tilespmem:s9], [sflag:$0x1] =	stream.indirect.gather [hbm4b:s8+s6], $0x40, s2, s6, $0xb8;
	[tilespmem:$0x8100] =	vst v63  }
0x37: {  	_ = 	snop  }
0x38: {  	[tilespmem:s10], [sflag:$0x2] =	stream.indirect.gather [hbm4b:s5+s6], $0x40, s6, s6, $0xb8;
	[tilespmem:$0x8100] =	vst v63  }
0x39: {  	_ = 	snop  }
0x3a: {  	[tilespmem:s11], [sflag:$0x2] =	stream.indirect.gather [hbm4b:s8+s6], $0x40, s6, s6, $0xb8;
	[tilespmem:$0x8100] =	vst v63  }
0x3b: {  	_ =	swait.ge [sflag:s12], $0x2000  }
0x3c: {  	[sflag:s12] =	ssyncset.done $0x0  }
0x3d: {  	[sflag:s12] =	ssyncadd.s32 $0xFFFFE000  }
0x3e: {  	_ =	swait.ge [sflag:s12], $0x2000  }
0x3f: {  	[sflag:s12] =	ssyncset.done $0x0  }
0x40: {  	[sflag:s12] =	ssyncadd.s32 $0xFFFFE000  }
0x41: {  	[hbm4b:s13+s2] =	stream.linear.scatter [tilespmem:s7], [sflag:$0x3], $0x2000, $0x38;
	[tilespmem:$0x8100] =	vst v63  }
0x42: {  	_ = 	snop  }
0x43: {  	[hbm4b:s14+s2] =	stream.linear.scatter [tilespmem:s9], [sflag:$0x3], $0x2000, $0x38;
	[tilespmem:$0x8100] =	vst v63  }
0x44: {  	_ =	swait.ge [sflag:s15], $0x2000  }
0x45: {  	[sflag:s15] =	ssyncset.done $0x0  }
0x46: {  	[sflag:s15] =	ssyncadd.s32 $0xFFFFE000  }
0x47: {  	_ =	swait.ge [sflag:s15], $0x2000  }
0x48: {  	[sflag:s15] =	ssyncset.done $0x0  }
0x49: {  	[sflag:s15] =	ssyncadd.s32 $0xFFFFE000  }
0x4a: {  	[hbm4b:s16+s2] =	stream.linear.scatter [tilespmem:s10], [sflag:$0x3], $0x2000, $0x38;
	[tilespmem:$0x8100] =	vst v63  }
0x4b: {  	_ = 	snop  }
0x4c: {  	[hbm4b:s18+s2] =	stream.linear.scatter [tilespmem:s11], [sflag:$0x3], $0x2000, $0x38;
	[tilespmem:$0x8100] =	vst v63  }
0x4d: {  	_ =	swait.ge [sflag:s17], $0x2000  }
0x4e: {  	[sflag:s17] =	ssyncset.done $0x0  }
0x4f: {  	[sflag:s17] =	ssyncadd.s32 $0xFFFFE000  }
0x50: {  	_ =	swait.ge [sflag:s17], $0x2000  }
0x51: {  	[sflag:s17] =	ssyncset.done $0x0  }
0x52: {  	[sflag:s17] =	ssyncadd.s32 $0xFFFFE000  }
.Ltmp1:
0x53: {  	_ =	swait.ge [sflag:s17], $0x2000;
	(pc) =	sbr.rel @p0 .LBB2_1-.Ltmp1, $4  }
0x54: {  	[sflag:s17] =	ssyncset.done $0x0  }
0x55: {  	[sflag:s17] =	ssyncadd.s32 $0xFFFFE000  }
0x56: {  	_ =	swait.ge [sflag:s17], $0x2000  }
0x57: {  	[sflag:s17] =	ssyncset.done $0x0  }
.LBB2_2:
0x58: {  	[sflag:s17] =	ssyncadd.s32 $0xFFFFE000  }
0x59: {  	_ =	sfence.sel $0x180000  }
0x5a: {  	[bflag:$0x0] =	sbarrier.arrive $0xFFFF  }
0x5b: {  	p0 =	sne.s32 s0, $0x0;
	_ =	strace $0x90000047  }
0x5c: {  	s0 =	sadd.s32 @!p0 $0x100000, s1;
	[bflag:$0x2] =	sbarrier.arrive $0xFFFF  }
0x5d: {  	[sflag:s0] =	ssyncadd.tile.s32 @!p0 $0x1;
	_ =	shalt  }
.Lfunc_end2:
_tile_overlayer_lowered:
.L_overlay_start_2:
0x5e: {  	(tag) =	ssettag $0x2  }
0x5f: {  	s0 =	rddreg [dreg:$0x0];
	s2 =	stileid.u32  }
0x60: {  	s1 =	rddreg [dreg:$0x1];
	p0 =	sne.s32 s2, $0x0  }
0x61: {  	s3 =	rddreg [dreg:$0x2];
	[bflag:$0x3] =	sbarrier.arrive $0xFFFF;
	s2 =	simm.s32 @!p0 $0x1C04  }
0x62: {  	[timem:s3], [sflag:s2] =	dma.local @!p0 [hbm:s0], s1  }
0x63: {  	s0 =	simm.s32 @!p0 $0x4  }
0x64: {  	_ =	swait.ge @!p0 [sflag:s0], s1  }
0x65: {  	s1 =	ssub.s32 @!p0 $0x0, s1;
	[sflag:s0] =	ssyncset.done @!p0 $0x0  }
0x66: {  	[sflag:s0] =	ssyncadd.s32 @!p0 s1  }
0x67: {  	[bflag:$0x3] =	sbarrier.arrive $0xFFFF  }
0x68: {  	_ =	shalt  }

</sc_bundles>
